<compile_context>
chip_gen: v7x
topology: tpu7x:2x2x1
jax: 0.10.2.dev20260603
libtpu: 0.0.44.dev20260713+nightly
codegen_flags: <defaults>
</compile_context>

<pallas_src>
import functools

import jax
import jax.numpy as jnp
from jax import lax
from jax.experimental import pallas as pl
from jax.experimental.pallas import tpu as pltpu
from jax.experimental.pallas import tpu_sc as plsc

_NEG_INF = float("-inf")



def _noisy_kernel(x_ref, w_ref, b_ref, ns_ref, out_ref, *, num_experts):
    z = jnp.dot(x_ref[...], w_ref[...], preferred_element_type=jnp.float32)
    z = z + b_ref[...]
    logits = z[:, :num_experts]
    noise_logits = z[:, num_experts:]
    out_ref[...] = logits + ns_ref[...] * jax.nn.softplus(noise_logits)


def _noisy_logits(x, w_c, b_c, noise_sample, *, block_tokens):
    n, d = x.shape
    e2 = w_c.shape[1]
    e = e2 // 2
    grid = n // block_tokens
    return pl.pallas_call(
        functools.partial(_noisy_kernel, num_experts=e),
        grid=(grid,),
        in_specs=[
            pl.BlockSpec((block_tokens, d), lambda i: (i, 0)),
            pl.BlockSpec((d, e2), lambda i: (0, 0)),
            pl.BlockSpec((1, e2), lambda i: (0, 0)),
            pl.BlockSpec((block_tokens, e), lambda i: (i, 0)),
        ],
        out_specs=pl.BlockSpec((block_tokens, e), lambda i: (i, 0)),
        out_shape=jax.ShapeDtypeStruct((n, e), jnp.float32),
        compiler_params=pltpu.CompilerParams(
            dimension_semantics=("arbitrary",),
        ),
    )(x, w_c, b_c, noise_sample)



def _make_route(n_tokens, num_experts):
    info = plsc.get_sparse_core_info()
    nc, ns, nl = info.num_cores, info.num_subcores, info.num_lanes
    nw = nc * ns
    assert n_tokens % (nw * nl) == 0
    tpw = n_tokens // nw
    groups = tpw // nl

    mesh = plsc.VectorSubcoreMesh(core_axis_name="c", subcore_axis_name="s")

    @functools.partial(
        pl.kernel,
        mesh=mesh,
        out_type=[
            jax.ShapeDtypeStruct((n_tokens * num_experts,), jnp.float32),
            jax.ShapeDtypeStruct((n_tokens * 2,), jnp.int32),
        ],
        scratch_types=[
            pltpu.VMEM((tpw * num_experts,), jnp.float32),
            pltpu.VMEM((tpw * num_experts,), jnp.float32),
            pltpu.VMEM((tpw * 2,), jnp.int32),
        ],
        compiler_params=pltpu.CompilerParams(needs_layout_passes=False),
    )
    def route(noisy_hbm, probs_hbm, idx_hbm, nv, pv, iv):
        wid = lax.axis_index("s") * nc + lax.axis_index("c")
        base = wid * tpw
        pltpu.sync_copy(noisy_hbm.at[pl.ds(base * num_experts, tpw * num_experts)], nv)

        lanes = lax.iota(jnp.int32, nl)
        neg_inf = jnp.full((nl,), _NEG_INF, jnp.float32)

        def body(g, carry):
            rows = g * nl + lanes
            rows_e = rows * num_experts
            v = [
                plsc.load_gather(nv, [rows_e + e])
                for e in range(num_experts)
            ]
            best1 = v[0]
            idx1 = jnp.zeros((nl,), jnp.int32)
            for e in range(1, num_experts):
                c = v[e] > best1
                best1 = jnp.where(c, v[e], best1)
                idx1 = jnp.where(c, jnp.full((nl,), e, jnp.int32), idx1)
            best2 = neg_inf
            idx2 = jnp.zeros((nl,), jnp.int32)
            for e in range(num_experts):
                ee = jnp.full((nl,), e, jnp.int32)
                cand = jnp.where(idx1 == ee, neg_inf, v[e])
                c = cand > best2
                best2 = jnp.where(c, cand, best2)
                idx2 = jnp.where(c, ee, idx2)
            e2 = jnp.exp(best2 - best1)
            denom = 1.0 + e2
            p1 = 1.0 / denom
            p2 = e2 / denom
            zero = jnp.zeros((nl,), jnp.float32)
            base_g = g * (nl * num_experts)
            for j in range(num_experts):
                pv[pl.ds(base_g + j * nl, nl)] = zero
            plsc.store_scatter(pv, [rows_e + idx1], p1)
            plsc.store_scatter(pv, [rows_e + idx2], p2)
            rows2 = rows * 2
            plsc.store_scatter(iv, [rows2], idx1)
            plsc.store_scatter(iv, [rows2 + 1], idx2)
            return carry

        lax.fori_loop(0, groups, body, 0)
        pltpu.sync_copy(pv, probs_hbm.at[pl.ds(base * num_experts, tpw * num_experts)])
        pltpu.sync_copy(iv, idx_hbm.at[pl.ds(base * 2, tpw * 2)])

    return route



def kernel(mh_output, W_route, b_route, W_noise, b_noise):
    b, t, d = mh_output.shape
    e = W_route.shape[0]
    n = b * t

    x = mh_output.reshape(n, d)
    w_c = jnp.concatenate([W_route, W_noise], axis=0).T
    b_c = jnp.concatenate([b_route, b_noise], axis=0).reshape(1, 2 * e)
    noise_sample = jax.random.normal(
        jax.random.key(42), (b, t, e), dtype=jnp.float32
    ).reshape(n, e)

    noisy = _noisy_logits(x, w_c, b_c, noise_sample, block_tokens=2048)
    probs, idx = _make_route(n, e)(noisy.reshape(n * e))
    return probs.reshape(b, t, e), idx.reshape(b, t, 2)

# --- scband reference (transcript-rebuilt; emitter-appended) ---
"""Pipeline reference for scband-noisy-topk-router-39195871543620 (READ-ONLY COPY).

The authoritative reference and input builder live on the scoring server;
editing this copy changes nothing except your own understanding.
"""

import jax, jax.numpy as jnp
import numpy as np

N_EMBED = 768
NUM_EXPERTS = 8
TOP_K = 2


def setup_inputs(seed: int = 0) -> dict:
    key = jax.random.key(seed)
    k1, k2, k3, k4, k5 = jax.random.split(key, 5)
    mh_output = jax.random.normal(k1, (4, 8192, N_EMBED), dtype=jnp.float32)
    # nn.Linear(n_embed, num_experts): weight [num_experts, n_embed], bias [num_experts]
    bound = 1.0 / np.sqrt(N_EMBED)
    W_route = jax.random.uniform(k2, (NUM_EXPERTS, N_EMBED), minval=-bound, maxval=bound, dtype=jnp.float32)
    b_route = jax.random.uniform(k3, (NUM_EXPERTS,), minval=-bound, maxval=bound, dtype=jnp.float32)
    W_noise = jax.random.uniform(k4, (NUM_EXPERTS, N_EMBED), minval=-bound, maxval=bound, dtype=jnp.float32)
    b_noise = jax.random.uniform(k5, (NUM_EXPERTS,), minval=-bound, maxval=bound, dtype=jnp.float32)
    return {"mh_output": mh_output, "W_route": W_route, "b_route": b_route, "W_noise": W_noise, "b_noise": b_noise}


def reference(mh_output, W_route, b_route, W_noise, b_noise):
    logits = mh_output @ W_route.T + b_route
    noise_logits = mh_output @ W_noise.T + b_noise
    # torch.randn_like(logits): fixed gaussian sample (constant w.r.t. inputs)
    noise_sample = jax.random.normal(jax.random.key(42), logits.shape, dtype=logits.dtype)
    noise = noise_sample * jax.nn.softplus(noise_logits)
    noisy_logits = logits + noise
    current_top_k = min(TOP_K, noisy_logits.shape[-1])
    top_k_logits, indices = jax.lax.top_k(noisy_logits, current_top_k)
    # scatter top-k logits into a -inf tensor along the last dim
    E = noisy_logits.shape[-1]
    flat_zeros = jnp.full((noisy_logits.size // E, E), -jnp.inf, dtype=noisy_logits.dtype)
    idx_flat = indices.reshape(-1, current_top_k)
    vals_flat = top_k_logits.reshape(-1, current_top_k)
    rows = jnp.arange(flat_zeros.shape[0])[:, None]
    sparse_flat = flat_zeros.at[rows, idx_flat].set(vals_flat)
    sparse_logits = sparse_flat.reshape(noisy_logits.shape)
    router_output_probs = jax.nn.softmax(sparse_logits, axis=-1)
    return (router_output_probs, indices)

if __name__ == "__main__":
    import jax
    _d = setup_inputs()
    print(jax.jit(kernel)(*tuple(_d.values())))

</pallas_src>

<mosaic_0001>
#map = affine_map<(d0, d1) -> (0)>
module attributes {stable_mosaic.version = 14 : i64} {
  func.func @route(%arg0: i32, %arg1: i32, %arg2: memref<262144xf32, #tpu.memory_space<hbm>>, %arg3: memref<262144xf32, #tpu.memory_space<hbm>>, %arg4: memref<65536xi32, #tpu.memory_space<hbm>>, %arg5: memref<8192xf32, #tpu.memory_space<vmem>>, %arg6: memref<8192xf32, #tpu.memory_space<vmem>>, %arg7: memref<2048xi32, #tpu.memory_space<vmem>>) attributes {dimension_semantics = [#tpu.dimension_semantics<core_parallel>, #tpu.dimension_semantics<subcore_parallel>], iteration_bounds = array<i64: 2, 16>, scalar_prefetch = 0 : i64, scratch_operands = 3 : i64, tpu.core_type = #tpu.core_type<sc_vector_subcore>, window_params = [{transform_indices = #map}, {transform_indices = #map}, {transform_indices = #map}]} {
    %mul3A = arith.constant 2 : i32
    %mul3A_0 = arith.muli %arg1, %mul3A : i32
    %add3A = arith.addi %mul3A_0, %arg0 : i32
    %mul3A_1 = arith.constant 1024 : i32
    %mul3A_2 = arith.muli %add3A, %mul3A_1 : i32
    %mul3A_3 = arith.constant 8 : i32
    %mul3A_4 = arith.muli %mul3A_2, %mul3A_3 : i32
    "tpu.region"() ({
      %run_scoped3A = tpu.sem_alloc : memref<!tpu.dma_semaphore, #tpu.memory_space<semaphore_mem>>
      %dma_start3A = tpu.memref_slice %arg2[%mul3A_4] : memref<262144xf32, #tpu.memory_space<hbm>> -> memref<8192xf32, #tpu.memory_space<hbm>>
      %dma_start3A_15 = tpu.memref_slice %arg2[%mul3A_4] : memref<262144xf32, #tpu.memory_space<hbm>> -> memref<8192xf32, #tpu.memory_space<hbm>>
      tpu.enqueue_dma source(%dma_start3A_15 : memref<8192xf32, #tpu.memory_space<hbm>>) target(%arg5 : memref<8192xf32, #tpu.memory_space<vmem>>) target_semaphore(%run_scoped3A : memref<!tpu.dma_semaphore, #tpu.memory_space<semaphore_mem>>)
      %dma_wait3A = tpu.memref_slice %arg2[%mul3A_4] : memref<262144xf32, #tpu.memory_space<hbm>> -> memref<8192xf32, #tpu.memory_space<hbm>>
      %dma_wait3A_16 = tpu.memref_slice %arg2[%mul3A_4] : memref<262144xf32, #tpu.memory_space<hbm>> -> memref<8192xf32, #tpu.memory_space<hbm>>
      tpu.wait_dma2 semaphore(%run_scoped3A : memref<!tpu.dma_semaphore, #tpu.memory_space<semaphore_mem>>) src(%dma_wait3A_16 : memref<8192xf32, #tpu.memory_space<hbm>>) dst(%arg5 : memref<8192xf32, #tpu.memory_space<vmem>>)
      tpu.yield
    }) : () -> ()
    %iota3A = tpu.iota {dimensions = array<i32: 0>} : vector<16xi32>
    %broadcast_in_dim3A = arith.constant 0xFF800000 : f32
    %broadcast_in_dim3A_5 = vector.broadcast %broadcast_in_dim3A : f32 to vector<16xf32>
    %scan3A = arith.constant 0 : i32
    %scan3A_6 = arith.constant 0 : i32
    %scan3A_7 = arith.constant 64 : i32
    %scan3A_8 = arith.addi %scan3A_6, %scan3A_7 : i32
    %scan3A_9 = arith.constant 1 : i32
    scf.for %scan3A_15 = %scan3A_6 to %scan3A_8 step %scan3A_9  : i32 {
      %mul3A_16 = arith.constant 16 : i32
      %mul3A_17 = arith.muli %scan3A_15, %mul3A_16 : i32
      %add3A_18 = vector.broadcast %mul3A_17 : i32 to vector<16xi32>
      %add3A_19 = arith.addi %add3A_18, %iota3A : vector<16xi32>
      %mul3A_20 = arith.constant 8 : i32
      %mul3A_21 = vector.broadcast %mul3A_20 : i32 to vector<16xi32>
      %mul3A_22 = arith.muli %add3A_19, %mul3A_21 : vector<16xi32>
      %add3A_23 = arith.constant 0 : i32
      %add3A_24 = vector.broadcast %add3A_23 : i32 to vector<16xi32>
      %add3A_25 = arith.addi %mul3A_22, %add3A_24 : vector<16xi32>
      %gather3A = tpu.vector_load_idx %arg5[%add3A_25] : memref<8192xf32, #tpu.memory_space<vmem>>[vector<16xi32>], vector<16xf32>,
      %add3A_26 = arith.constant 1 : i32
      %add3A_27 = vector.broadcast %add3A_26 : i32 to vector<16xi32>
      %add3A_28 = arith.addi %mul3A_22, %add3A_27 : vector<16xi32>
      %gather3A_29 = tpu.vector_load_idx %arg5[%add3A_28] : memref<8192xf32, #tpu.memory_space<vmem>>[vector<16xi32>], vector<16xf32>,
      %add3A_30 = arith.constant 2 : i32
      %add3A_31 = vector.broadcast %add3A_30 : i32 to vector<16xi32>
      %add3A_32 = arith.addi %mul3A_22, %add3A_31 : vector<16xi32>
      %gather3A_33 = tpu.vector_load_idx %arg5[%add3A_32] : memref<8192xf32, #tpu.memory_space<vmem>>[vector<16xi32>], vector<16xf32>,
      %add3A_34 = arith.constant 3 : i32
      %add3A_35 = vector.broadcast %add3A_34 : i32 to vector<16xi32>
      %add3A_36 = arith.addi %mul3A_22, %add3A_35 : vector<16xi32>
      %gather3A_37 = tpu.vector_load_idx %arg5[%add3A_36] : memref<8192xf32, #tpu.memory_space<vmem>>[vector<16xi32>], vector<16xf32>,
      %add3A_38 = arith.constant 4 : i32
      %add3A_39 = vector.broadcast %add3A_38 : i32 to vector<16xi32>
      %add3A_40 = arith.addi %mul3A_22, %add3A_39 : vector<16xi32>
      %gather3A_41 = tpu.vector_load_idx %arg5[%add3A_40] : memref<8192xf32, #tpu.memory_space<vmem>>[vector<16xi32>], vector<16xf32>,
      %add3A_42 = arith.constant 5 : i32
      %add3A_43 = vector.broadcast %add3A_42 : i32 to vector<16xi32>
      %add3A_44 = arith.addi %mul3A_22, %add3A_43 : vector<16xi32>
      %gather3A_45 = tpu.vector_load_idx %arg5[%add3A_44] : memref<8192xf32, #tpu.memory_space<vmem>>[vector<16xi32>], vector<16xf32>,
      %add3A_46 = arith.constant 6 : i32
      %add3A_47 = vector.broadcast %add3A_46 : i32 to vector<16xi32>
      %add3A_48 = arith.addi %mul3A_22, %add3A_47 : vector<16xi32>
      %gather3A_49 = tpu.vector_load_idx %arg5[%add3A_48] : memref<8192xf32, #tpu.memory_space<vmem>>[vector<16xi32>], vector<16xf32>,
      %add3A_50 = arith.constant 7 : i32
      %add3A_51 = vector.broadcast %add3A_50 : i32 to vector<16xi32>
      %add3A_52 = arith.addi %mul3A_22, %add3A_51 : vector<16xi32>
      %gather3A_53 = tpu.vector_load_idx %arg5[%add3A_52] : memref<8192xf32, #tpu.memory_space<vmem>>[vector<16xi32>], vector<16xf32>,
      %broadcast_in_dim3A_54 = arith.constant 0 : i32
      %broadcast_in_dim3A_55 = vector.broadcast %broadcast_in_dim3A_54 : i32 to vector<16xi32>
      %gt3A = arith.cmpf ogt, %gather3A_29, %gather3A : vector<16xf32>
      %select_n3A = arith.select %gt3A, %gather3A_29, %gather3A : vector<16xi1>, vector<16xf32>
      %broadcast_in_dim3A_56 = arith.constant 1 : i32
      %broadcast_in_dim3A_57 = vector.broadcast %broadcast_in_dim3A_56 : i32 to vector<16xi32>
      %select_n3A_58 = arith.select %gt3A, %broadcast_in_dim3A_57, %broadcast_in_dim3A_55 : vector<16xi1>, vector<16xi32>
      %gt3A_59 = arith.cmpf ogt, %gather3A_33, %select_n3A : vector<16xf32>
      %select_n3A_60 = arith.select %gt3A_59, %gather3A_33, %select_n3A : vector<16xi1>, vector<16xf32>
      %broadcast_in_dim3A_61 = arith.constant 2 : i32
      %broadcast_in_dim3A_62 = vector.broadcast %broadcast_in_dim3A_61 : i32 to vector<16xi32>
      %select_n3A_63 = arith.select %gt3A_59, %broadcast_in_dim3A_62, %select_n3A_58 : vector<16xi1>, vector<16xi32>
      %gt3A_64 = arith.cmpf ogt, %gather3A_37, %select_n3A_60 : vector<16xf32>
      %select_n3A_65 = arith.select %gt3A_64, %gather3A_37, %select_n3A_60 : vector<16xi1>, vector<16xf32>
      %broadcast_in_dim3A_66 = arith.constant 3 : i32
      %broadcast_in_dim3A_67 = vector.broadcast %broadcast_in_dim3A_66 : i32 to vector<16xi32>
      %select_n3A_68 = arith.select %gt3A_64, %broadcast_in_dim3A_67, %select_n3A_63 : vector<16xi1>, vector<16xi32>
      %gt3A_69 = arith.cmpf ogt, %gather3A_41, %select_n3A_65 : vector<16xf32>
      %select_n3A_70 = arith.select %gt3A_69, %gather3A_41, %select_n3A_65 : vector<16xi1>, vector<16xf32>
      %broadcast_in_dim3A_71 = arith.constant 4 : i32
      %broadcast_in_dim3A_72 = vector.broadcast %broadcast_in_dim3A_71 : i32 to vector<16xi32>
      %select_n3A_73 = arith.select %gt3A_69, %broadcast_in_dim3A_72, %select_n3A_68 : vector<16xi1>, vector<16xi32>
      %gt3A_74 = arith.cmpf ogt, %gather3A_45, %select_n3A_70 : vector<16xf32>
      %select_n3A_75 = arith.select %gt3A_74, %gather3A_45, %select_n3A_70 : vector<16xi1>, vector<16xf32>
      %broadcast_in_dim3A_76 = arith.constant 5 : i32
      %broadcast_in_dim3A_77 = vector.broadcast %broadcast_in_dim3A_76 : i32 to vector<16xi32>
      %select_n3A_78 = arith.select %gt3A_74, %broadcast_in_dim3A_77, %select_n3A_73 : vector<16xi1>, vector<16xi32>
      %gt3A_79 = arith.cmpf ogt, %gather3A_49, %select_n3A_75 : vector<16xf32>
      %select_n3A_80 = arith.select %gt3A_79, %gather3A_49, %select_n3A_75 : vector<16xi1>, vector<16xf32>
      %broadcast_in_dim3A_81 = arith.constant 6 : i32
      %broadcast_in_dim3A_82 = vector.broadcast %broadcast_in_dim3A_81 : i32 to vector<16xi32>
      %select_n3A_83 = arith.select %gt3A_79, %broadcast_in_dim3A_82, %select_n3A_78 : vector<16xi1>, vector<16xi32>
      %gt3A_84 = arith.cmpf ogt, %gather3A_53, %select_n3A_80 : vector<16xf32>
      %select_n3A_85 = arith.select %gt3A_84, %gather3A_53, %select_n3A_80 : vector<16xi1>, vector<16xf32>
      %broadcast_in_dim3A_86 = arith.constant 7 : i32
      %broadcast_in_dim3A_87 = vector.broadcast %broadcast_in_dim3A_86 : i32 to vector<16xi32>
      %select_n3A_88 = arith.select %gt3A_84, %broadcast_in_dim3A_87, %select_n3A_83 : vector<16xi1>, vector<16xi32>
      %broadcast_in_dim3A_89 = arith.constant 0 : i32
      %broadcast_in_dim3A_90 = vector.broadcast %broadcast_in_dim3A_89 : i32 to vector<16xi32>
      %broadcast_in_dim3A_91 = arith.constant 0 : i32
      %broadcast_in_dim3A_92 = vector.broadcast %broadcast_in_dim3A_91 : i32 to vector<16xi32>
      %eq3A = arith.cmpi eq, %select_n3A_88, %broadcast_in_dim3A_92 : vector<16xi32>
      %select_n3A_93 = arith.select %eq3A, %broadcast_in_dim3A_5, %gather3A : vector<16xi1>, vector<16xf32>
      %gt3A_94 = arith.cmpf ogt, %select_n3A_93, %broadcast_in_dim3A_5 : vector<16xf32>
      %select_n3A_95 = arith.select %gt3A_94, %select_n3A_93, %broadcast_in_dim3A_5 : vector<16xi1>, vector<16xf32>
      %select_n3A_96 = arith.select %gt3A_94, %broadcast_in_dim3A_92, %broadcast_in_dim3A_90 : vector<16xi1>, vector<16xi32>
      %broadcast_in_dim3A_97 = arith.constant 1 : i32
      %broadcast_in_dim3A_98 = vector.broadcast %broadcast_in_dim3A_97 : i32 to vector<16xi32>
      %eq3A_99 = arith.cmpi eq, %select_n3A_88, %broadcast_in_dim3A_98 : vector<16xi32>
      %select_n3A_100 = arith.select %eq3A_99, %broadcast_in_dim3A_5, %gather3A_29 : vector<16xi1>, vector<16xf32>
      %gt3A_101 = arith.cmpf ogt, %select_n3A_100, %select_n3A_95 : vector<16xf32>
      %select_n3A_102 = arith.select %gt3A_101, %select_n3A_100, %select_n3A_95 : vector<16xi1>, vector<16xf32>
      %select_n3A_103 = arith.select %gt3A_101, %broadcast_in_dim3A_98, %select_n3A_96 : vector<16xi1>, vector<16xi32>
      %broadcast_in_dim3A_104 = arith.constant 2 : i32
      %broadcast_in_dim3A_105 = vector.broadcast %broadcast_in_dim3A_104 : i32 to vector<16xi32>
      %eq3A_106 = arith.cmpi eq, %select_n3A_88, %broadcast_in_dim3A_105 : vector<16xi32>
      %select_n3A_107 = arith.select %eq3A_106, %broadcast_in_dim3A_5, %gather3A_33 : vector<16xi1>, vector<16xf32>
      %gt3A_108 = arith.cmpf ogt, %select_n3A_107, %select_n3A_102 : vector<16xf32>
      %select_n3A_109 = arith.select %gt3A_108, %select_n3A_107, %select_n3A_102 : vector<16xi1>, vector<16xf32>
      %select_n3A_110 = arith.select %gt3A_108, %broadcast_in_dim3A_105, %select_n3A_103 : vector<16xi1>, vector<16xi32>
      %broadcast_in_dim3A_111 = arith.constant 3 : i32
      %broadcast_in_dim3A_112 = vector.broadcast %broadcast_in_dim3A_111 : i32 to vector<16xi32>
      %eq3A_113 = arith.cmpi eq, %select_n3A_88, %broadcast_in_dim3A_112 : vector<16xi32>
      %select_n3A_114 = arith.select %eq3A_113, %broadcast_in_dim3A_5, %gather3A_37 : vector<16xi1>, vector<16xf32>
      %gt3A_115 = arith.cmpf ogt, %select_n3A_114, %select_n3A_109 : vector<16xf32>
      %select_n3A_116 = arith.select %gt3A_115, %select_n3A_114, %select_n3A_109 : vector<16xi1>, vector<16xf32>
      %select_n3A_117 = arith.select %gt3A_115, %broadcast_in_dim3A_112, %select_n3A_110 : vector<16xi1>, vector<16xi32>
      %broadcast_in_dim3A_118 = arith.constant 4 : i32
      %broadcast_in_dim3A_119 = vector.broadcast %broadcast_in_dim3A_118 : i32 to vector<16xi32>
      %eq3A_120 = arith.cmpi eq, %select_n3A_88, %broadcast_in_dim3A_119 : vector<16xi32>
      %select_n3A_121 = arith.select %eq3A_120, %broadcast_in_dim3A_5, %gather3A_41 : vector<16xi1>, vector<16xf32>
      %gt3A_122 = arith.cmpf ogt, %select_n3A_121, %select_n3A_116 : vector<16xf32>
      %select_n3A_123 = arith.select %gt3A_122, %select_n3A_121, %select_n3A_116 : vector<16xi1>, vector<16xf32>
      %select_n3A_124 = arith.select %gt3A_122, %broadcast_in_dim3A_119, %select_n3A_117 : vector<16xi1>, vector<16xi32>
      %broadcast_in_dim3A_125 = arith.constant 5 : i32
      %broadcast_in_dim3A_126 = vector.broadcast %broadcast_in_dim3A_125 : i32 to vector<16xi32>
      %eq3A_127 = arith.cmpi eq, %select_n3A_88, %broadcast_in_dim3A_126 : vector<16xi32>
      %select_n3A_128 = arith.select %eq3A_127, %broadcast_in_dim3A_5, %gather3A_45 : vector<16xi1>, vector<16xf32>
      %gt3A_129 = arith.cmpf ogt, %select_n3A_128, %select_n3A_123 : vector<16xf32>
      %select_n3A_130 = arith.select %gt3A_129, %select_n3A_128, %select_n3A_123 : vector<16xi1>, vector<16xf32>
      %select_n3A_131 = arith.select %gt3A_129, %broadcast_in_dim3A_126, %select_n3A_124 : vector<16xi1>, vector<16xi32>
      %broadcast_in_dim3A_132 = arith.constant 6 : i32
      %broadcast_in_dim3A_133 = vector.broadcast %broadcast_in_dim3A_132 : i32 to vector<16xi32>
      %eq3A_134 = arith.cmpi eq, %select_n3A_88, %broadcast_in_dim3A_133 : vector<16xi32>
      %select_n3A_135 = arith.select %eq3A_134, %broadcast_in_dim3A_5, %gather3A_49 : vector<16xi1>, vector<16xf32>
      %gt3A_136 = arith.cmpf ogt, %select_n3A_135, %select_n3A_130 : vector<16xf32>
      %select_n3A_137 = arith.select %gt3A_136, %select_n3A_135, %select_n3A_130 : vector<16xi1>, vector<16xf32>
      %select_n3A_138 = arith.select %gt3A_136, %broadcast_in_dim3A_133, %select_n3A_131 : vector<16xi1>, vector<16xi32>
      %broadcast_in_dim3A_139 = arith.constant 7 : i32
      %broadcast_in_dim3A_140 = vector.broadcast %broadcast_in_dim3A_139 : i32 to vector<16xi32>
      %eq3A_141 = arith.cmpi eq, %select_n3A_88, %broadcast_in_dim3A_140 : vector<16xi32>
      %select_n3A_142 = arith.select %eq3A_141, %broadcast_in_dim3A_5, %gather3A_53 : vector<16xi1>, vector<16xf32>
      %gt3A_143 = arith.cmpf ogt, %select_n3A_142, %select_n3A_137 : vector<16xf32>
      %select_n3A_144 = arith.select %gt3A_143, %select_n3A_142, %select_n3A_137 : vector<16xi1>, vector<16xf32>
      %select_n3A_145 = arith.select %gt3A_143, %broadcast_in_dim3A_140, %select_n3A_138 : vector<16xi1>, vector<16xi32>
      %sub3A = arith.subf %select_n3A_144, %select_n3A_85 : vector<16xf32>
      %exp3A = math.exp %sub3A : vector<16xf32>
      %add3A_146 = arith.constant 1.000000e+00 : f32
      %add3A_147 = vector.broadcast %add3A_146 : f32 to vector<16xf32>
      %add3A_148 = arith.addf %add3A_147, %exp3A : vector<16xf32>
      %div3A = arith.constant 1.000000e+00 : f32
      %div3A_149 = vector.broadcast %div3A : f32 to vector<16xf32>
      %div3A_150 = arith.divf %div3A_149, %add3A_148 : vector<16xf32>
      %div3A_151 = arith.divf %exp3A, %add3A_148 : vector<16xf32>
      %broadcast_in_dim3A_152 = arith.constant 0.000000e+00 : f32
      %broadcast_in_dim3A_153 = vector.broadcast %broadcast_in_dim3A_152 : f32 to vector<16xf32>
      %mul3A_154 = arith.constant 128 : i32
      %mul3A_155 = arith.muli %scan3A_15, %mul3A_154 : i32
      %add3A_156 = arith.constant 0 : i32
      %add3A_157 = arith.addi %mul3A_155, %add3A_156 : i32
      %swap3A = arith.index_cast %add3A_157 : i32 to index
      %swap3A_158 = tpu.vector_load %arg6[%swap3A] {strides = array<i32>} : memref<8192xf32, #tpu.memory_space<vmem>>, vector<16xf32>,
      tpu.vector_store %arg6[%swap3A], %broadcast_in_dim3A_153 {strides = array<i32>} : memref<8192xf32, #tpu.memory_space<vmem>>, vector<16xf32>,
      %add3A_159 = arith.constant 16 : i32
      %add3A_160 = arith.addi %mul3A_155, %add3A_159 : i32
      %swap3A_161 = arith.index_cast %add3A_160 : i32 to index
      %swap3A_162 = tpu.vector_load %arg6[%swap3A_161] {strides = array<i32>} : memref<8192xf32, #tpu.memory_space<vmem>>, vector<16xf32>,
      tpu.vector_store %arg6[%swap3A_161], %broadcast_in_dim3A_153 {strides = array<i32>} : memref<8192xf32, #tpu.memory_space<vmem>>, vector<16xf32>,
      %add3A_163 = arith.constant 32 : i32
      %add3A_164 = arith.addi %mul3A_155, %add3A_163 : i32
      %swap3A_165 = arith.index_cast %add3A_164 : i32 to index
      %swap3A_166 = tpu.vector_load %arg6[%swap3A_165] {strides = array<i32>} : memref<8192xf32, #tpu.memory_space<vmem>>, vector<16xf32>,
      tpu.vector_store %arg6[%swap3A_165], %broadcast_in_dim3A_153 {strides = array<i32>} : memref<8192xf32, #tpu.memory_space<vmem>>, vector<16xf32>,
      %add3A_167 = arith.constant 48 : i32
      %add3A_168 = arith.addi %mul3A_155, %add3A_167 : i32
      %swap3A_169 = arith.index_cast %add3A_168 : i32 to index
      %swap3A_170 = tpu.vector_load %arg6[%swap3A_169] {strides = array<i32>} : memref<8192xf32, #tpu.memory_space<vmem>>, vector<16xf32>,
      tpu.vector_store %arg6[%swap3A_169], %broadcast_in_dim3A_153 {strides = array<i32>} : memref<8192xf32, #tpu.memory_space<vmem>>, vector<16xf32>,
      %add3A_171 = arith.constant 64 : i32
      %add3A_172 = arith.addi %mul3A_155, %add3A_171 : i32
      %swap3A_173 = arith.index_cast %add3A_172 : i32 to index
      %swap3A_174 = tpu.vector_load %arg6[%swap3A_173] {strides = array<i32>} : memref<8192xf32, #tpu.memory_space<vmem>>, vector<16xf32>,
      tpu.vector_store %arg6[%swap3A_173], %broadcast_in_dim3A_153 {strides = array<i32>} : memref<8192xf32, #tpu.memory_space<vmem>>, vector<16xf32>,
      %add3A_175 = arith.constant 80 : i32
      %add3A_176 = arith.addi %mul3A_155, %add3A_175 : i32
      %swap3A_177 = arith.index_cast %add3A_176 : i32 to index
      %swap3A_178 = tpu.vector_load %arg6[%swap3A_177] {strides = array<i32>} : memref<8192xf32, #tpu.memory_space<vmem>>, vector<16xf32>,
      tpu.vector_store %arg6[%swap3A_177], %broadcast_in_dim3A_153 {strides = array<i32>} : memref<8192xf32, #tpu.memory_space<vmem>>, vector<16xf32>,
      %add3A_179 = arith.constant 96 : i32
      %add3A_180 = arith.addi %mul3A_155, %add3A_179 : i32
      %swap3A_181 = arith.index_cast %add3A_180 : i32 to index
      %swap3A_182 = tpu.vector_load %arg6[%swap3A_181] {strides = array<i32>} : memref<8192xf32, #tpu.memory_space<vmem>>, vector<16xf32>,
      tpu.vector_store %arg6[%swap3A_181], %broadcast_in_dim3A_153 {strides = array<i32>} : memref<8192xf32, #tpu.memory_space<vmem>>, vector<16xf32>,
      %add3A_183 = arith.constant 112 : i32
      %add3A_184 = arith.addi %mul3A_155, %add3A_183 : i32
      %swap3A_185 = arith.index_cast %add3A_184 : i32 to index
      %swap3A_186 = tpu.vector_load %arg6[%swap3A_185] {strides = array<i32>} : memref<8192xf32, #tpu.memory_space<vmem>>, vector<16xf32>,
      tpu.vector_store %arg6[%swap3A_185], %broadcast_in_dim3A_153 {strides = array<i32>} : memref<8192xf32, #tpu.memory_space<vmem>>, vector<16xf32>,
      %add3A_187 = arith.addi %mul3A_22, %select_n3A_88 : vector<16xi32>
      tpu.vector_store_idx %arg6[%add3A_187], %div3A_150 : memref<8192xf32, #tpu.memory_space<vmem>>[vector<16xi32>], vector<16xf32>,
      %add3A_188 = arith.addi %mul3A_22, %select_n3A_145 : vector<16xi32>
      tpu.vector_store_idx %arg6[%add3A_188], %div3A_151 : memref<8192xf32, #tpu.memory_space<vmem>>[vector<16xi32>], vector<16xf32>,
      %mul3A_189 = arith.constant 2 : i32
      %mul3A_190 = vector.broadcast %mul3A_189 : i32 to vector<16xi32>
      %mul3A_191 = arith.muli %add3A_19, %mul3A_190 : vector<16xi32>
      tpu.vector_store_idx %arg7[%mul3A_191], %select_n3A_88 : memref<2048xi32, #tpu.memory_space<vmem>>[vector<16xi32>], vector<16xi32>,
      %add3A_192 = arith.constant 1 : i32
      %add3A_193 = vector.broadcast %add3A_192 : i32 to vector<16xi32>
      %add3A_194 = arith.addi %mul3A_191, %add3A_193 : vector<16xi32>
      tpu.vector_store_idx %arg7[%add3A_194], %select_n3A_145 : memref<2048xi32, #tpu.memory_space<vmem>>[vector<16xi32>], vector<16xi32>,
    }
    %scan3A_10 = arith.constant 64 : i32
    %mul3A_11 = arith.constant 8 : i32
    %mul3A_12 = arith.muli %mul3A_2, %mul3A_11 : i32
    "tpu.region"() ({
      %run_scoped3A = tpu.sem_alloc : memref<!tpu.dma_semaphore, #tpu.memory_space<semaphore_mem>>
      %dma_start3A = tpu.memref_slice %arg3[%mul3A_12] : memref<262144xf32, #tpu.memory_space<hbm>> -> memref<8192xf32, #tpu.memory_space<hbm>>
      %dma_start3A_15 = tpu.memref_slice %arg3[%mul3A_12] : memref<262144xf32, #tpu.memory_space<hbm>> -> memref<8192xf32, #tpu.memory_space<hbm>>
      tpu.enqueue_dma source(%arg6 : memref<8192xf32, #tpu.memory_space<vmem>>) target(%dma_start3A_15 : memref<8192xf32, #tpu.memory_space<hbm>>) target_semaphore(%run_scoped3A : memref<!tpu.dma_semaphore, #tpu.memory_space<semaphore_mem>>)
      %dma_wait3A = tpu.memref_slice %arg3[%mul3A_12] : memref<262144xf32, #tpu.memory_space<hbm>> -> memref<8192xf32, #tpu.memory_space<hbm>>
      %dma_wait3A_16 = tpu.memref_slice %arg3[%mul3A_12] : memref<262144xf32, #tpu.memory_space<hbm>> -> memref<8192xf32, #tpu.memory_space<hbm>>
      tpu.wait_dma2 semaphore(%run_scoped3A : memref<!tpu.dma_semaphore, #tpu.memory_space<semaphore_mem>>) src(%arg6 : memref<8192xf32, #tpu.memory_space<vmem>>) dst(%dma_wait3A_16 : memref<8192xf32, #tpu.memory_space<hbm>>)
      tpu.yield
    }) : () -> ()
    %mul3A_13 = arith.constant 2 : i32
    %mul3A_14 = arith.muli %mul3A_2, %mul3A_13 : i32
    "tpu.region"() ({
      %run_scoped3A = tpu.sem_alloc : memref<!tpu.dma_semaphore, #tpu.memory_space<semaphore_mem>>
      %dma_start3A = tpu.memref_slice %arg4[%mul3A_14] : memref<65536xi32, #tpu.memory_space<hbm>> -> memref<2048xi32, #tpu.memory_space<hbm>>
      %dma_start3A_15 = tpu.memref_slice %arg4[%mul3A_14] : memref<65536xi32, #tpu.memory_space<hbm>> -> memref<2048xi32, #tpu.memory_space<hbm>>
      tpu.enqueue_dma source(%arg7 : memref<2048xi32, #tpu.memory_space<vmem>>) target(%dma_start3A_15 : memref<2048xi32, #tpu.memory_space<hbm>>) target_semaphore(%run_scoped3A : memref<!tpu.dma_semaphore, #tpu.memory_space<semaphore_mem>>)
      %dma_wait3A = tpu.memref_slice %arg4[%mul3A_14] : memref<65536xi32, #tpu.memory_space<hbm>> -> memref<2048xi32, #tpu.memory_space<hbm>>
      %dma_wait3A_16 = tpu.memref_slice %arg4[%mul3A_14] : memref<65536xi32, #tpu.memory_space<hbm>> -> memref<2048xi32, #tpu.memory_space<hbm>>
      tpu.wait_dma2 semaphore(%run_scoped3A : memref<!tpu.dma_semaphore, #tpu.memory_space<semaphore_mem>>) src(%arg7 : memref<2048xi32, #tpu.memory_space<vmem>>) dst(%dma_wait3A_16 : memref<2048xi32, #tpu.memory_space<hbm>>)
      tpu.yield
    }) : () -> ()
    return
  }
}

module attributes {stable_mosaic.version = 14 : i64} {
  func.func @_noisy_kernel(%arg0: i32, %arg1: memref<2048x768xf32, #tpu.memory_space<vmem>>, %arg2: memref<768x16xf32, #tpu.memory_space<vmem>>, %arg3: memref<1x16xf32, #tpu.memory_space<vmem>>, %arg4: memref<2048x8xf32, #tpu.memory_space<vmem>>, %arg5: memref<2048x8xf32, #tpu.memory_space<vmem>>) attributes {dimension_semantics = [#tpu.dimension_semantics<arbitrary>], iteration_bounds = array<i64: 16>, scalar_prefetch = 0 : i64, scratch_operands = 0 : i64, tpu.core_type = #tpu.core_type<tc>, window_params = [{transform_indices = @transform_0, window_bounds = array<i64: 2048, 768>}, {pipeline_mode = #tpu.pipeline_mode<synchronous>, transform_indices = @transform_1, window_bounds = array<i64: 768, 16>}, {pipeline_mode = #tpu.pipeline_mode<synchronous>, transform_indices = @transform_2, window_bounds = array<i64: 1, 16>}, {transform_indices = @transform_3, window_bounds = array<i64: 2048, 8>}, {transform_indices = @transform_4, window_bounds = array<i64: 2048, 8>}]} {
    %get3A = arith.constant 0 : index
    %get3A_0 = arith.constant 0 : index
    %get3A_1 = vector.load %arg1[%get3A, %get3A_0] : memref<2048x768xf32, #tpu.memory_space<vmem>>, vector<2048x768xf32>
    %get3A_2 = arith.constant 0 : index
    %get3A_3 = arith.constant 0 : index
    %get3A_4 = vector.load %arg2[%get3A_2, %get3A_3] : memref<768x16xf32, #tpu.memory_space<vmem>>, vector<768x16xf32>
    %dot_general3A = arith.constant dense<0.000000e+00> : vector<2048x16xf32>
    %dot_general3A_5 = tpu.matmul %get3A_1, %get3A_4, %dot_general3A {dimension_numbers = #tpu.dot_dimension_numbers<[1], [0], [0], [1], [0, 0, 1, 1], [], []>, transpose_lhs_hint = false} : vector<2048x768xf32>, vector<768x16xf32>, vector<2048x16xf32> -> vector<2048x16xf32>
    %get3A_6 = arith.constant 0 : index
    %get3A_7 = arith.constant 0 : index
    %get3A_8 = vector.load %arg3[%get3A_6, %get3A_7] : memref<1x16xf32, #tpu.memory_space<vmem>>, vector<1x16xf32>
    %add3A = vector.broadcast %get3A_8 : vector<1x16xf32> to vector<2048x16xf32>
    %add3A_9 = arith.addf %dot_general3A_5, %add3A : vector<2048x16xf32>
    %slice3A = vector.extract_strided_slice %add3A_9 {offsets = [0, 0], sizes = [2048, 8], strides = [1, 1]} : vector<2048x16xf32> to vector<2048x8xf32>
    %slice3A_10 = vector.extract_strided_slice %add3A_9 {offsets = [0, 8], sizes = [2048, 8], strides = [1, 1]} : vector<2048x16xf32> to vector<2048x8xf32>
    %get3A_11 = arith.constant 0 : index
    %get3A_12 = arith.constant 0 : index
    %get3A_13 = vector.load %arg4[%get3A_11, %get3A_12] : memref<2048x8xf32, #tpu.memory_space<vmem>>, vector<2048x8xf32>
    %custom_jvp_call3A = arith.constant 0.000000e+00 : f32
    %max3A = vector.broadcast %custom_jvp_call3A : f32 to vector<2048x8xf32>
    %max3A_14 = arith.maximumf %slice3A_10, %max3A : vector<2048x8xf32>
    %sub3A = vector.broadcast %custom_jvp_call3A : f32 to vector<2048x8xf32>
    %sub3A_15 = arith.subf %slice3A_10, %sub3A : vector<2048x8xf32>
    %ne3A = arith.cmpf one, %sub3A_15, %sub3A_15 : vector<2048x8xf32>
    %add3A_16 = vector.broadcast %custom_jvp_call3A : f32 to vector<2048x8xf32>
    %add3A_17 = arith.addf %slice3A_10, %add3A_16 : vector<2048x8xf32>
    %abs3A = math.absf %sub3A_15 : vector<2048x8xf32>
    %neg3A = arith.constant 0.000000e+00 : f32
    %neg3A_18 = vector.broadcast %neg3A : f32 to vector<2048x8xf32>
    %neg3A_19 = arith.subf %neg3A_18, %abs3A : vector<2048x8xf32>
    %exp3A = math.exp %neg3A_19 : vector<2048x8xf32>
    %log1p3A = math.log1p %exp3A : vector<2048x8xf32>
    %add3A_20 = arith.addf %max3A_14, %log1p3A : vector<2048x8xf32>
    %select_n3A = arith.select %ne3A, %add3A_17, %add3A_20 : vector<2048x8xi1>, vector<2048x8xf32>
    %mul3A = arith.mulf %get3A_13, %select_n3A : vector<2048x8xf32>
    %add3A_21 = arith.addf %slice3A, %mul3A : vector<2048x8xf32>
    %swap3A = arith.constant 0 : index
    %swap3A_22 = arith.constant 0 : index
    %swap3A_23 = vector.load %arg5[%swap3A, %swap3A_22] : memref<2048x8xf32, #tpu.memory_space<vmem>>, vector<2048x8xf32>
    tpu.vector_store %arg5[%swap3A, %swap3A_22], %add3A_21 {strides = array<i32>} : memref<2048x8xf32, #tpu.memory_space<vmem>>, vector<2048x8xf32>,
    return
  }
  func.func @transform_0(%arg0: i32) -> (i32, i32) {
    %c0_i32 = arith.constant 0 : i32
    %c0_i32_0 = arith.constant 0 : i32
    return %arg0, %c0_i32 : i32, i32
  }
  func.func @transform_1(%arg0: i32) -> (i32, i32) {
    %c0_i32 = arith.constant 0 : i32
    %c0_i32_0 = arith.constant 0 : i32
    %c0_i32_1 = arith.constant 0 : i32
    return %c0_i32, %c0_i32_0 : i32, i32
  }
  func.func @transform_2(%arg0: i32) -> (i32, i32) {
    %c0_i32 = arith.constant 0 : i32
    %c0_i32_0 = arith.constant 0 : i32
    %c0_i32_1 = arith.constant 0 : i32
    return %c0_i32, %c0_i32_0 : i32, i32
  }
  func.func @transform_3(%arg0: i32) -> (i32, i32) {
    %c0_i32 = arith.constant 0 : i32
    %c0_i32_0 = arith.constant 0 : i32
    return %arg0, %c0_i32 : i32, i32
  }
  func.func @transform_4(%arg0: i32) -> (i32, i32) {
    %c0_i32 = arith.constant 0 : i32
    %c0_i32_0 = arith.constant 0 : i32
    return %arg0, %c0_i32 : i32, i32
  }
}

</mosaic_0001>

<sc_bundles>
// kernel: kernel.4.cloned.1.call-start
scs
__scs_entry_jumppad:
0x0: {  	(pc) =	sbr.rel $0x88, $3  }
0x1: {  	(tag) =	ssettag $0x0;
	lr =	simm.s32 $0x1  }
0x2: {  	[smem:$0x3F9C] =	sst lr;
	_ =	strace $0xD0000000  }
0x3: {  	_ = 	snop  }
0x4: {  	_ = 	snop  }
0x5: {  	_ = 	snop  }
0x6: {  	_ = 	snop  }
0x7: {  	_ = 	snop  }
__scs_overlays_trampoline_lowered:
0x8: {  	[smem:$0x3FAB] =	sst s0  }
0x9: {  	[smem:$0x3FAC] =	sst s1  }
0xa: {  	[smem:$0x3FAD] =	sst s2  }
0xb: {  	[smem:$0x3FAE] =	sst s3  }
0xc: {  	[smem:$0x3FAF] =	sst s4  }
0xd: {  	[smem:$0x3FB0] =	sst s5  }
0xe: {  	[smem:$0x3FB1] =	sst s6  }
0xf: {  	[smem:$0x3FB2] =	sst s7  }
0x10: {  	[smem:$0x3FB3] =	sst s8  }
0x11: {  	[smem:$0x3FB4] =	sst s9;
	s0 =	simm.s32 @!p0 $0x0  }
0x12: {  	s1 =	sld [smem:$0x3F9A];
	s0 =	simm.s32 @p0 $0x1  }
0x13: {  	[smem:$0x3FB5] =	sst s0;
	s0 =	simm.s32 @!p1 $0x0  }
0x14: {  	s2 =	sld [smem:$0x3F99];
	s0 =	simm.s32 @p1 $0x1  }
0x15: {  	[smem:$0x3FB6] =	sst s0;
	s0 =	simm.s32 @!p2 $0x0  }
0x16: {  	s3 =	sld [smem:$0x3FDB];
	s0 =	simm.s32 @p2 $0x1  }
0x17: {  	s4 =	simm.s32 $0x1BF5;
	[smem:$0x3FB8] =	sst s0  }
0x18: {  	s0 =	sld [smem:$0x3F9B];
	_ =	swait.ge [sflag:s4], $0x0  }
0x19: {  	s7 =	sld [smem:$0x3F9C]  }
0x1a: {  	s8 =	sadd.s32 $0xFFFFE003, lr  }
0x1b: {  	s9 =	sadd.s32 $0xFFFFFEF7, lr;
	s5 =	simm.s32 $0xFFFFFFFF;
	p2 =	slt.u32 s8, $0xFFFFF086  }
0x1c: {  	p1 =	slt.u32 s9, $0xF7A;
	s5 =	simm.s32 @!p2 $0x0  }
0x1d: {  	s5 =	simm.s32 @p1 $0x1;
	p0 =	seq.s32 s7, s2  }
0x1e: {  	s7 =	smul.u32 @!p0 $0xF7A, s2;
	p2 =	seq.s32 @!p0 s5, $0x0  }
0x1f: {  	s9 =	smul.u32 $0xF7A, s1;
	s8 =	simm.s32 @!p0 $0x1BF5;
	p2 =	por !p2, p0  }
0x20: {  	[sflag:s8] =	ssyncset.s32 @!p0 $0xFFFFF086;
	s6 =	sadd.s32 @!p0 s3, s7;
	s7 =	simm.s32 @!p0 $0x108  }
0x21: {  	s3 =	sadd.s32 s3, s9;
	s6 =	sadd.s32 @!p0 $0x88, s6;
	s7 =	simm.s32 @p2 $0x1082  }
0x22: {  	[simem:s7], [sflag:s8] =	dma.local @!p0 [hbm:s6], $0xF7A  }
0x23: {  	s9 =	sor.u32 $0xD0000000, s2;
	s6 =	simm.s32 $0x108;
	_ =	swait.ge @!p0 [sflag:s8], $0x0  }
0x24: {  	s3 =	sadd.s32 $0x88, s3;
	s6 =	simm.s32 @!p1 $0x1082;
	[sflag:s4] =	ssyncset.s32 $0xFFFFF086  }
0x25: {  	[simem:s6], [sflag:s4] =	dma.local [hbm:s3], $0xF7A  }
0x26: {  	[smem:$0x3F9C] =	sst s1;
	(tag) =	ssettag s2;
	_ =	strace s9  }
0x27: {  	s1 =	sld [smem:$0x3FAC]  }
0x28: {  	s2 =	sld [smem:$0x3FAD]  }
0x29: {  	s4 =	sld [smem:$0x3FAF]  }
0x2a: {  	p0 =	seq.s32 s5, $0x0;
	s5 =	sld [smem:$0x3FB0]  }
0x2b: {  	s6 =	sld [smem:$0x3FB1]  }
0x2c: {  	s7 =	sld [smem:$0x3FB2]  }
0x2d: {  	s3 =	simm.s32 $0x108;
	s8 =	sld [smem:$0x3FB3]  }
0x2e: {  	s3 =	simm.s32 @!p0 $0x1082;
	s9 =	sld [smem:$0x3FB4]  }
0x2f: {  	lr =	sadd.s32 s0, s3;
	s0 =	sld [smem:$0x3FAB]  }
0x30: {  	s3 =	sld [smem:$0x3FAE]  }
0x31: {  	[smem:$0x3FB7] =	sst s10  }
0x32: {  	s10 =	sld [smem:$0x3FB5];
	_ =	sdelay $0x3  }
0x33: {  	p0 =	seq.s32 s10, $0x1;
	s10 =	sld [smem:$0x3FB7];
	_ =	sdelay $0x3  }
0x34: {  	[smem:$0x3FB7] =	sst s10  }
0x35: {  	s10 =	sld [smem:$0x3FB6];
	_ =	sdelay $0x3  }
0x36: {  	p1 =	seq.s32 s10, $0x1;
	s10 =	sld [smem:$0x3FB7];
	_ =	sdelay $0x3  }
0x37: {  	[smem:$0x3FB7] =	sst s10  }
0x38: {  	s10 =	sld [smem:$0x3FB8]  }
0x39: {  	_ = 	snop;
	(pc) =	sbr.ind lr, $3  }
0x3a: {  	_ = 	snop  }
0x3b: {  	_ = 	snop  }
0x3c: {  	p2 =	seq.s32 s10, $0x1;
	s10 =	sld [smem:$0x3FB7]  }
0x3d: {  	_ =	shalt  }
0x3e: {  	_ =	shalt  }
0x3f: {  	_ =	shalt  }
0x40: {  	_ =	shalt  }
0x41: {  	_ =	shalt  }
0x42: {  	_ =	shalt  }
0x43: {  	_ =	shalt  }
0x44: {  	_ =	shalt  }
0x45: {  	_ =	shalt  }
0x46: {  	_ =	shalt  }
0x47: {  	_ =	shalt  }
0x48: {  	_ =	shalt  }
0x49: {  	_ =	shalt  }
0x4a: {  	_ =	shalt  }
0x4b: {  	_ =	shalt  }
0x4c: {  	_ =	shalt  }
0x4d: {  	_ =	shalt  }
0x4e: {  	_ =	shalt  }
0x4f: {  	_ =	shalt  }
0x50: {  	_ =	shalt  }
0x51: {  	_ =	shalt  }
0x52: {  	_ =	shalt  }
0x53: {  	_ =	shalt  }
0x54: {  	_ =	shalt  }
0x55: {  	_ =	shalt  }
0x56: {  	_ =	shalt  }
0x57: {  	_ =	shalt  }
0x58: {  	_ =	shalt  }
0x59: {  	_ =	shalt  }
0x5a: {  	_ =	shalt  }
0x5b: {  	_ =	shalt  }
0x5c: {  	_ =	shalt  }
0x5d: {  	_ =	shalt  }
0x5e: {  	_ =	shalt  }
0x5f: {  	_ =	shalt  }
0x60: {  	_ =	shalt  }
0x61: {  	_ =	shalt  }
0x62: {  	_ =	shalt  }
0x63: {  	_ =	shalt  }
0x64: {  	_ =	shalt  }
0x65: {  	_ =	shalt  }
0x66: {  	_ =	shalt  }
0x67: {  	_ =	shalt  }
0x68: {  	_ =	shalt  }
0x69: {  	_ =	shalt  }
0x6a: {  	_ =	shalt  }
0x6b: {  	_ =	shalt  }
0x6c: {  	_ =	shalt  }
0x6d: {  	_ =	shalt  }
0x6e: {  	_ =	shalt  }
0x6f: {  	_ =	shalt  }
0x70: {  	_ =	shalt  }
0x71: {  	_ =	shalt  }
0x72: {  	_ =	shalt  }
0x73: {  	_ =	shalt  }
0x74: {  	_ =	shalt  }
0x75: {  	_ =	shalt  }
0x76: {  	_ =	shalt  }
0x77: {  	_ =	shalt  }
0x78: {  	_ =	shalt  }
0x79: {  	_ =	shalt  }
0x7a: {  	_ =	shalt  }
0x7b: {  	_ =	shalt  }
0x7c: {  	_ =	shalt  }
0x7d: {  	_ =	shalt  }
0x7e: {  	_ =	shalt  }
0x7f: {  	_ =	shalt  }
0x80: {  	_ =	shalt  }
0x81: {  	_ =	shalt  }
0x82: {  	_ =	shalt  }
0x83: {  	_ =	shalt  }
0x84: {  	_ =	shalt  }
0x85: {  	_ =	shalt  }
0x86: {  	_ =	shalt  }
0x87: {  	_ =	shalt  }
.Lfunc_end0:
.L_simem_size_0:
called_computation_lowered:
.L_overlay_start_0:
0x88: {  	s2 =	sld [smem:$0x3FD9]  }
0x89: {  	s3 =	sld [smem:$0x3FFE];
	_ =	sdelay $0x1  }
0x8a: {  	s1 =	srdreg.scid  }
0x8b: {  	s0 =	sand.u32 $0x1, s1  }
0x8c: {  	s14 =	sshll.u32 s0, $0xA;
	s2 =	sadd.s32 s3, s2  }
0x8d: {  	s2 =	sadd.s32 s2, s14  }
0x8e: {  	[smem:$0x3FC3] =	sst s2  }
0x8f: {  	_ = 	snop  }
0x90: {  	s2 =	sld [smem:$0x3FD0];
	_ =	sdelay $0x2  }
0x91: {  	s15 =	simm.s32 $0xA;
	s4 =	simm.s32 $0x10  }
0x92: {  	[smem:s4], [sflag:s15] =	dma.local [hbm:s2], $0x1  }
0x93: {  	_ =	swait.eq [sflag:s15], $0x1  }
0x94: {  	[sflag:s15] =	ssyncset.done $0x0  }
0x95: {  	s16 =	sld [smem:$0x10];
	[sflag:s15] =	ssyncadd.s32 $0xFFFFFFFF  }
0x96: {  	s17 =	sld [smem:$0x11];
	(tm) =	ssettm $0x1  }
0x97: {  	s18 =	sld [smem:$0x3FFB];
	_ =	sdelay $0x3  }
0x98: {  	_ =	strace s18  }
0x99: {  	s4 =	sld [smem:$0x3FFC];
	_ =	sdelay $0x3  }
0x9a: {  	_ =	strace s4  }
0x9b: {  	s4 =	sld [smem:$0x3FFD];
	_ =	sdelay $0x3  }
0x9c: {  	_ =	strace s4  }
0x9d: {  	_ =	strace $0x8FFFFFFF  }
0x9e: {  	s19 =	sld [smem:$0x3FDB];
	_ =	sdelay $0x1  }
0x9f: {  	s5 =	simm.s32 $_scs_section_size  }
0xa0: {  	s6 =	simm.s32 $_size__tile_overlayer_lowered;
	s7 =	simm.s32 $_tile_overlayer_lowered  }
0xa1: {  	s22 =	simm.s32 $0x1BFF;
	s21 =	sshll.u32 s7, $0x1;
	s4 =	sadd.s32 s5, s19  }
0xa2: {  	s8 =	simm.s32 $0x0;
	s20 =	sshll.u32 s6, $0x1;
	s6 =	sadd.s32 s21, s4  }
0xa3: {  	[timem:s8], [sflag:s22] =	dma.local [hbm:s6], s20  }
0xa4: {  	_ =	swait.ge [sflag:s22], s20  }
0xa5: {  	s5 =	ssub.s32 $0x0, s20;
	[sflag:s22] =	ssyncset.done $0x0  }
0xa6: {  	[sflag:s22] =	ssyncadd.s32 s5;
	_ =	sdelay $0x1  }
0xa7: {  	s23 =	simm.s32 $0x1B8B  }
0xa8: {  	_ =	swait.ge [sflag:s23], $0x1  }
0xa9: {  	[sflag:s23] =	ssyncset.done $0x0  }
0xaa: {  	s25 =	simm.s32 $0x1B8E;
	s24 =	sld [smem:$0x3FFE];
	[sflag:s23] =	ssyncadd.s32 $0xFFFFFFFF  }
0xab: {  	s26 =	simm.s32 $execute0_lowered;
	[smem:$0x3FD2] =	sst s25  }
0xac: {  	s6 =	sshll.u32 s26, $0x1;
	_ =	strace $0x80000046;
	[dreg:$0x1] =	wrdreg $0xFFFFFFFF  }
0xad: {  	s28 =	simm.s32 $_size_execute0_lowered;
	s4 =	sadd.s32 s4, s6;
	[dreg:$0x0] =	wrdreg $0x0  }
0xae: {  	s6 =	sshll.u32 s28, $0x1;
	[dreg:$0x2] =	wrdreg s4  }
0xaf: {  	[dreg:$0x3] =	wrdreg s6  }
0xb0: {  	[dreg:$0x4] =	wrdreg $0xC0  }
0xb1: {  	_ =	task [dreg:s8], $0x5FFFF  }
0xb2: {  	[dreg:$0x1] =	wrdreg $0xFFFFFFFF  }
0xb3: {  	[dreg:$0x0] =	wrdreg $0x60  }
0xb4: {  	[dreg:$0x2] =	wrdreg s16  }
0xb5: {  	[dreg:$0x3] =	wrdreg s24  }
0xb6: {  	[dreg:$0x4] =	wrdreg s17  }
0xb7: {  	[dreg:$0x5] =	wrdreg $0x9  }
0xb8: {  	_ =	task.clear_ibuf [dreg:s8], $0x6FFFF;
	_ =	strace $0x90000046  }
0xb9: {  	s29 =	simm.s32 $0x9;
	_ =	strace $0x80000048  }
0xba: {  	_ =	swait.ge [sflag:s29], $0x1  }
0xbb: {  	[sflag:s29] =	ssyncadd.s32 $0xFFFFFFFF  }
0xbc: {  	_ =	strace $0x90000048  }
0xbd: {  	_ =	sfence  }
0xbe: {  	s30 =	sld [smem:$0x0];
	_ =	sdelay $0x2  }
0xbf: {  	s31 =	sshll.u32 s1, $0xD;
	s1 =	sshrl.u32 s1, $0x2  }
0xc0: {  	s3 =	sand.u32 $0x4000, s31;
	s1 =	sadd.s32 s1, s30  }
0xc1: {  	s0 =	sor.u32 s3, s0;
	s1 =	sshll.u32 s1, $0x11  }
0xc2: {  	s0 =	sor.u32 s1, s0  }
0xc3: {  	s0 =	sadd.s32 $0x8F2B, s0  }
0xc4: {  	[sflag:s0] =	ssyncadd.remote.s32 $0x1  }
0xc5: {  	_ =	sfence.sel $0xFFFF  }
0xc6: {  	[dreg:$0x0] =	wrdreg $0xFFFFFFFF;
	(pc) =	sbr.abs _section_cstart, $3  }
0xc7: {  	[dreg:$0x1] =	wrdreg $0xFFFFFFFF  }
0xc8: {  	_ =	task.clear_ibuf [dreg:s8], $0x2FFFF;
	_ =	strace $0x9FFFFFFF  }
0xc9: {  	(tm) =	ssettm $0x7FFFFFFF  }
tec
execute0_lowered:
.L_overlay_start_1:
0x0: {  	(tag) =	ssettag $0x1  }
0x1: {  	s3 =	rddreg [dreg:$0x0]  }
0x2: {  	s4 =	rddreg [dreg:$0x1]  }
0x3: {  	s5 =	rddreg [dreg:$0x2]  }
0x4: {  	s2 =	srdreg.scid;
	s1 =	stileid.u32  }
0x5: {  	s0 =	rddreg [dreg:$0x3];
	s6 =	sand.u32 $0x1, s2;
	s7 =	sshll.u32 s1, $0x1  }
0x6: {  	s10 =	simm.s32 $0x0;
	s2 =	simm.s32 $0x0;
	s7 =	sor.u32 s6, s7  }
0x7: {  	s6 =	ssub.s32 $0x2, s6;
	[smem:$0x7FF] =	sst s2;
	s8 =	sshll.u32 s7, $0xA  }
0x8: {  	s9 =	sshrl.u32 s6, $0x1;
	_ =	strace $0x80000047;
	s7 =	sshll.u32 s7, $0x8  }
0x9: {  	s4 =	sadd.s32 s8, s4;
	s6 =	ssub.s32 s6, s9;
	s3 =	sadd.s32 s3, s8  }
0xa: {  	s5 =	sadd.s32 s5, s7;
	s7 =	simm.s32 $0x1;
	s8 =	simm.s32 $0x2000  }
0xb: {  	v0 =	vlaneseq.u32;
	v1 =	vimm.s32 $0x0;
	v2 =	vimm.f32 $0.0e+00;
	s9 =	simm.s32 $0x4000;
	s4 =	sadd.s32 $0xC00, s4;
	s6 =	smax.u32 s6, $0x1  }
.LBB2_1:
0xc: {  	v3 =	vor.u32 s2, v0  }
0xd: {  	v4 =	vshll.u32 v3, $0x3  }
0xe: {  	[tilespmem:s2], [sflag:$0x1] =	stream.linear.gather [hbm4b:s3+s2], $0x2000, $0x38;
	v5 =	vor.u32 $0x1, v4;
	[tilespmem:$0x4800] =	vst v63  }
0xf: {  	_ =	swait.ge [sflag:s7], $0x2000  }
0x10: {  	[sflag:s7] =	ssyncset.done $0x0;
	v6 =	vor.u32 $0x2, v4  }
0x11: {  	[sflag:s7] =	ssyncadd.s32 $0xFFFFE000  }
0x12: {  	v7 =	vor.u32 $0x3, v4;
	v8 =	vld.idx.msk [tilespmem:v4+s2+$0x0], $0xffff  }
0x13: {  	v5 =	vld.idx.msk [tilespmem:v5+s2+$0x0], $0xffff  }
0x14: {  	v9 =	vor.u32 $0x4, v4  }
0x15: {  	v6 =	vld.idx.msk [tilespmem:v6+s2+$0x0], $0xffff  }
0x16: {  	v10 =	vor.u32 $0x5, v4  }
0x17: {  	v7 =	vld.idx.msk [tilespmem:v7+s2+$0x0], $0xffff  }
0x18: {  	v11 =	vor.u32 $0x6, v4;
	vm0 =	vgt.f32 v5, v8  }
0x19: {  	v9 =	vld.idx.msk [tilespmem:v9+s2+$0x0], $0xffff;
	v12 =	vsel vm0, v5, v8  }
0x1a: {  	v13 =	vor.u32 $0x7, v4;
	vm1 =	vgt.f32 v6, v12  }
0x1b: {  	v10 =	vld.idx.msk [tilespmem:v10+s2+$0x0], $0xffff;
	v12 =	vsel vm1, v6, v12  }
0x1c: {  	vm2 =	vgt.f32 v7, v12  }
0x1d: {  	v11 =	vld.idx.msk [tilespmem:v11+s2+$0x0], $0xffff;
	v12 =	vsel vm2, v7, v12  }
0x1e: {  	vm3 =	vgt.f32 v9, v12  }
0x1f: {  	v13 =	vld.idx.msk [tilespmem:v13+s2+$0x0], $0xffff;
	v12 =	vsel vm3, v9, v12  }
0x20: {  	v14 =	vsel vm0, $0x1, v1;
	vm7 =	vgt.f32 v10, v12  }
0x21: {  	v14 =	vsel vm1, $0x2, v14;
	v12 =	vsel vm7, v10, v12  }
0x22: {  	v14 =	vsel vm2, $0x3, v14;
	vm1 =	vgt.f32 v11, v12  }
0x23: {  	v14 =	vsel vm3, $0x4, v14;
	v12 =	vsel vm1, v11, v12  }
0x24: {  	v14 =	vsel vm7, $0x5, v14;
	vm8 =	vgt.f32 v13, v12  }
0x25: {  	v14 =	vsel vm1, $0x6, v14;
	vm0 =	vmneg vm8  }
0x26: {  	v14 =	vnsel vm0, $0x7, v14  }
0x27: {  	vm9 =	veq.s32 v14, $0x0  }
0x28: {  	v8 =	vsel vm9, $0xFF800000, v8  }
0x29: {  	vm10 =	veq.s32 v14, $0x1;
	vm11 =	vgt.f32 v8, $-Inf  }
0x2a: {  	v5 =	vsel vm10, $0xFF800000, v5;
	v8 =	vnsel vm11, $0xFF800000, v8  }
0x2b: {  	vm12 =	veq.s32 v14, $0x2;
	vm3 =	vgt.f32 v5, v8  }
0x2c: {  	v6 =	vsel vm12, $0xFF800000, v6;
	v5 =	vsel vm3, v5, v8  }
0x2d: {  	vm13 =	veq.s32 v14, $0x3;
	vm4 =	vgt.f32 v6, v5  }
0x2e: {  	v5 =	vsel vm4, v6, v5;
	v6 =	vsel vm13, $0xFF800000, v7  }
0x2f: {  	vm14 =	veq.s32 v14, $0x4;
	vm5 =	vgt.f32 v6, v5  }
0x30: {  	v5 =	vsel vm5, v6, v5;
	v6 =	vsel vm14, $0xFF800000, v9  }
0x31: {  	vm15 =	veq.s32 v14, $0x5;
	vm6 =	vgt.f32 v6, v5  }
0x32: {  	v5 =	vsel vm6, v6, v5;
	v6 =	vsel vm15, $0xFF800000, v10  }
0x33: {  	vm1 =	vmand vm1, vm0;
	vm2 =	vgt.f32 v6, v5  }
0x34: {  	v5 =	vsel vm2, v6, v5;
	v6 =	vsel vm1, $0xFF800000, v11  }
0x35: {  	vm1 =	vgt.f32 v6, v5  }
0x36: {  	v5 =	vsel vm1, v6, v5;
	v6 =	vnsel vm0, $0xFF800000, v13  }
0x37: {  	vm7 =	vgt.f32 v6, v5  }
0x38: {  	v7 =	vsel vm0, v12, v13;
	v5 =	vsel vm7, v6, v5  }
0x39: {  	v5 =	vsub.f32 v5, v7;
	_ =	sdelay $0x1  }
0x3a: {  	v5 =	vmul.f32 $1.442695020e+00, v5;
	_ =	sdelay $0x1  }
0x3b: {  	(erf) = vpow2.f32 v5;
	_ =	sdelay $0x8  }
0x3c: {  	v5 =	vpop (erf)  }
0x3d: {  	v6 =	vadd.f32 $1.000000000e+00, v5;
	_ =	sdelay $0x1  }
0x3e: {  	v7 =	vsel vm3, $0x1, v1;
	(erf) = vrcp.f32 v6  }
0x3f: {  	v6 =	vsel vm4, $0x2, v7  }
0x40: {  	s11 =	simm.s32 $0x2040;
	v6 =	vsel vm5, $0x3, v6  }
0x41: {  	[tilespmem:s11+$0xFFFFFFC0] =	vst v2;
	v6 =	vsel vm6, $0x4, v6  }
0x42: {  	[tilespmem:s11+$0xFFFFFFD0] =	vst v2;
	v6 =	vsel vm2, $0x5, v6  }
0x43: {  	[tilespmem:s11+$0xFFFFFFE0] =	vst v2;
	v6 =	vsel vm1, $0x6, v6  }
0x44: {  	[tilespmem:s11+$0xFFFFFFF0] =	vst v2;
	v7 =	vadd.s32 v4, v14;
	v6 =	vsel vm7, $0x7, v6  }
0x45: {  	[tilespmem:s11+$0x0] =	vst v2;
	v8 =	vadd.s32 v4, v6  }
0x46: {  	s12 =	simm.s32 $0x10;
	v15 =	vshll.u32 v3, $0x1;
	[tilespmem:s11+$0x10] =	vst v2  }
0x47: {  	v3 =	vor.u32 s12, v0;
	[tilespmem:s11+$0x20] =	vst v2;
	v9 =	vpop (erf)  }
0x48: {  	[tilespmem:s11+$0x30] =	vst v2;
	v13 =	vor.u32 $0x1, v15;
	v4 =	vshll.u32 v3, $0x3;
	v5 =	vmul.f32 v9, v5  }
0x49: {  	v12 =	vor.u32 $0x1, v4;
	[tilespmem:v7+s8+$0x0] =	vst.idx.msk $0xffff, v9  }
0x4a: {  	v11 =	vor.u32 $0x2, v4;
	v10 =	vor.u32 $0x3, v4;
	v9 =	vor.u32 $0x4, v4;
	[tilespmem:v8+s8+$0x0] =	vst.idx.msk $0xffff, v5  }
0x4b: {  	s12 =	simm.s32 $0x20;
	v7 =	vor.u32 $0x6, v4;
	v8 =	vor.u32 $0x5, v4;
	v5 =	vor.u32 $0x7, v4;
	[tilespmem:v15+s9+$0x0] =	vst.idx.msk $0xffff, v14  }
.LBB2_2:
0x4c: {  	p0 =	sne.s32 s12, $0x3F0  }
0x4d: {  	[tilespmem:v13+s9+$0x0] =	vst.idx.msk $0xffff, v6;
	s11 =	sadd.s32 $0x80, s11;
	s13 =	smov.u32 s12;
	s12 =	sadd.s32 $0x10, s12  }
0x4e: {  	v6 =	vld.idx.msk [tilespmem:v4+s2+$0x0], $0xffff  }
0x4f: {  	v12 =	vld.idx.msk [tilespmem:v12+s2+$0x0], $0xffff;
	_ =	sdelay $0x1  }
0x50: {  	v11 =	vld.idx.msk [tilespmem:v11+s2+$0x0], $0xffff;
	_ =	sdelay $0x1  }
0x51: {  	v10 =	vld.idx.msk [tilespmem:v10+s2+$0x0], $0xffff;
	_ =	sdelay $0x1  }
0x52: {  	vm0 =	vgt.f32 v12, v6;
	v9 =	vld.idx.msk [tilespmem:v9+s2+$0x0], $0xffff  }
0x53: {  	v13 =	vsel vm0, v12, v6  }
0x54: {  	vm1 =	vgt.f32 v11, v13;
	v8 =	vld.idx.msk [tilespmem:v8+s2+$0x0], $0xffff  }
0x55: {  	v13 =	vsel vm1, v11, v13  }
0x56: {  	vm2 =	vgt.f32 v10, v13;
	v7 =	vld.idx.msk [tilespmem:v7+s2+$0x0], $0xffff  }
0x57: {  	v13 =	vsel vm2, v10, v13  }
0x58: {  	vm3 =	vgt.f32 v9, v13;
	v5 =	vld.idx.msk [tilespmem:v5+s2+$0x0], $0xffff  }
0x59: {  	v13 =	vsel vm3, v9, v13;
	[tilespmem:s11+$0xFFFFFFC0] =	vst v2  }
0x5a: {  	v14 =	vsel vm0, $0x1, v1;
	vm0 =	vgt.f32 v8, v13;
	[tilespmem:s11+$0xFFFFFFD0] =	vst v2  }
0x5b: {  	v14 =	vsel vm1, $0x2, v14;
	v13 =	vsel vm0, v8, v13;
	[tilespmem:s11+$0xFFFFFFE0] =	vst v2  }
0x5c: {  	v14 =	vsel vm2, $0x3, v14;
	vm1 =	vgt.f32 v7, v13;
	[tilespmem:s11+$0xFFFFFFF0] =	vst v2  }
0x5d: {  	v14 =	vsel vm3, $0x4, v14;
	v13 =	vsel vm1, v7, v13;
	[tilespmem:s11+$0x0] =	vst v2  }
0x5e: {  	v14 =	vsel vm0, $0x5, v14;
	vm0 =	vgt.f32 v5, v13;
	[tilespmem:s11+$0x10] =	vst v2  }
0x5f: {  	v14 =	vsel vm1, $0x6, v14;
	vm2 =	vmneg vm0;
	[tilespmem:s11+$0x20] =	vst v2  }
0x60: {  	v13 =	vsel vm2, v13, v5;
	v14 =	vnsel vm2, $0x7, v14;
	vm6 =	vmand vm1, vm2;
	[tilespmem:s11+$0x30] =	vst v2  }
0x61: {  	vm0 =	veq.s32 v14, $0x0;
	vm1 =	veq.s32 v14, $0x1;
	vm3 =	veq.s32 v14, $0x2  }
0x62: {  	vm4 =	veq.s32 v14, $0x3;
	vm5 =	veq.s32 v14, $0x4;
	v6 =	vsel vm0, $0xFF800000, v6  }
0x63: {  	vm7 =	veq.s32 v14, $0x5;
	v15 =	vadd.s32 v4, v14;
	vm0 =	vgt.f32 v6, $-Inf  }
0x64: {  	v12 =	vsel vm1, $0xFF800000, v12;
	v6 =	vnsel vm0, $0xFF800000, v6  }
0x65: {  	vm0 =	vgt.f32 v12, v6  }
0x66: {  	v11 =	vsel vm3, $0xFF800000, v11;
	v6 =	vsel vm0, v12, v6  }
0x67: {  	vm1 =	vgt.f32 v11, v6  }
0x68: {  	v10 =	vsel vm4, $0xFF800000, v10;
	v6 =	vsel vm1, v11, v6  }
0x69: {  	vm3 =	vgt.f32 v10, v6  }
0x6a: {  	v9 =	vsel vm5, $0xFF800000, v9;
	v6 =	vsel vm3, v10, v6  }
0x6b: {  	vm4 =	vgt.f32 v9, v6  }
0x6c: {  	v8 =	vsel vm7, $0xFF800000, v8;
	v6 =	vsel vm4, v9, v6  }
0x6d: {  	vm5 =	vgt.f32 v8, v6  }
0x6e: {  	v7 =	vsel vm6, $0xFF800000, v7;
	v6 =	vsel vm5, v8, v6  }
0x6f: {  	vm6 =	vgt.f32 v7, v6  }
0x70: {  	v5 =	vnsel vm2, $0xFF800000, v5;
	v6 =	vsel vm6, v7, v6  }
0x71: {  	vm2 =	vgt.f32 v5, v6  }
0x72: {  	v5 =	vsel vm2, v5, v6  }
0x73: {  	v5 =	vsub.f32 v5, v13;
	_ =	sdelay $0x1  }
0x74: {  	v5 =	vmul.f32 $1.442695020e+00, v5;
	_ =	sdelay $0x1  }
0x75: {  	(erf) = vpow2.f32 v5;
	_ =	sdelay $0x8  }
0x76: {  	v5 =	vpop (erf)  }
0x77: {  	v6 =	vadd.f32 $1.000000000e+00, v5;
	_ =	sdelay $0x1  }
0x78: {  	v7 =	vsel vm0, $0x1, v1;
	(erf) = vrcp.f32 v6  }
0x79: {  	v6 =	vsel vm1, $0x2, v7  }
0x7a: {  	v6 =	vsel vm3, $0x3, v6  }
0x7b: {  	v6 =	vsel vm4, $0x4, v6  }
0x7c: {  	v6 =	vsel vm5, $0x5, v6  }
0x7d: {  	v6 =	vsel vm6, $0x6, v6  }
0x7e: {  	v6 =	vsel vm2, $0x7, v6  }
0x7f: {  	v16 =	vadd.s32 v4, v6  }
0x80: {  	v17 =	vshll.u32 v3, $0x1  }
.Ltmp0:
0x81: {  	v3 =	vor.u32 s13, v0;
	v13 =	vor.u32 $0x1, v17;
	v7 =	vpop (erf);
	(pc) =	sbr.rel @p0 .LBB2_2-.Ltmp0, $4  }
0x82: {  	v4 =	vshll.u32 v3, $0x3;
	v5 =	vmul.f32 v7, v5  }
0x83: {  	v12 =	vor.u32 $0x1, v4;
	v11 =	vor.u32 $0x2, v4;
	v10 =	vor.u32 $0x3, v4;
	[tilespmem:v15+s8+$0x0] =	vst.idx.msk $0xffff, v7  }
0x84: {  	v9 =	vor.u32 $0x4, v4;
	v8 =	vor.u32 $0x5, v4;
	v7 =	vor.u32 $0x6, v4;
	[tilespmem:v16+s8+$0x0] =	vst.idx.msk $0xffff, v5  }
0x85: {  	v5 =	vor.u32 $0x7, v4;
	[tilespmem:v17+s9+$0x0] =	vst.idx.msk $0xffff, v14  }
0x86: {  	_ =	sdelay $0x3  }
0x87: {  	[tilespmem:v13+s9+$0x0] =	vst.idx.msk $0xffff, v6  }
0x88: {  	v6 =	vld.idx.msk [tilespmem:v4+s2+$0x0], $0xffff  }
0x89: {  	v12 =	vld.idx.msk [tilespmem:v12+s2+$0x0], $0xffff;
	_ =	sdelay $0x1  }
0x8a: {  	v11 =	vld.idx.msk [tilespmem:v11+s2+$0x0], $0xffff;
	_ =	sdelay $0x1  }
0x8b: {  	v10 =	vld.idx.msk [tilespmem:v10+s2+$0x0], $0xffff  }
0x8c: {  	vm0 =	vgt.f32 v12, v6  }
0x8d: {  	v9 =	vld.idx.msk [tilespmem:v9+s2+$0x0], $0xffff;
	v55 =	vsel vm0, v12, v6  }
0x8e: {  	vm1 =	vgt.f32 v11, v55  }
0x8f: {  	v8 =	vld.idx.msk [tilespmem:v8+s2+$0x0], $0xffff;
	v13 =	vsel vm1, v11, v55  }
0x90: {  	vm2 =	vgt.f32 v10, v13  }
0x91: {  	v7 =	vld.idx.msk [tilespmem:v7+s2+$0x0], $0xffff;
	v13 =	vsel vm2, v10, v13  }
0x92: {  	vm3 =	vgt.f32 v9, v13  }
0x93: {  	v5 =	vld.idx.msk [tilespmem:v5+s2+$0x0], $0xffff;
	v13 =	vsel vm3, v9, v13  }
0x94: {  	v14 =	vsel vm0, $0x1, v1;
	vm7 =	vgt.f32 v8, v13  }
0x95: {  	v14 =	vsel vm1, $0x2, v14;
	v13 =	vsel vm7, v8, v13  }
0x96: {  	v14 =	vsel vm2, $0x3, v14;
	vm1 =	vgt.f32 v7, v13  }
0x97: {  	v14 =	vsel vm3, $0x4, v14;
	v13 =	vsel vm1, v7, v13  }
0x98: {  	v14 =	vsel vm7, $0x5, v14;
	vm8 =	vgt.f32 v5, v13  }
0x99: {  	v14 =	vsel vm1, $0x6, v14;
	vm0 =	vmneg vm8  }
0x9a: {  	v14 =	vnsel vm0, $0x7, v14  }
0x9b: {  	vm9 =	veq.s32 v14, $0x0  }
0x9c: {  	v6 =	vsel vm9, $0xFF800000, v6  }
0x9d: {  	vm10 =	veq.s32 v14, $0x1;
	vm11 =	vgt.f32 v6, $-Inf  }
0x9e: {  	v12 =	vsel vm10, $0xFF800000, v12;
	v6 =	vnsel vm11, $0xFF800000, v6  }
0x9f: {  	vm12 =	veq.s32 v14, $0x2;
	vm3 =	vgt.f32 v12, v6  }
0xa0: {  	v11 =	vsel vm12, $0xFF800000, v11;
	v6 =	vsel vm3, v12, v6  }
0xa1: {  	vm13 =	veq.s32 v14, $0x3;
	vm4 =	vgt.f32 v11, v6  }
0xa2: {  	v10 =	vsel vm13, $0xFF800000, v10;
	v6 =	vsel vm4, v11, v6  }
0xa3: {  	vm14 =	veq.s32 v14, $0x4;
	vm5 =	vgt.f32 v10, v6  }
0xa4: {  	v9 =	vsel vm14, $0xFF800000, v9;
	v6 =	vsel vm5, v10, v6  }
0xa5: {  	vm15 =	veq.s32 v14, $0x5;
	vm6 =	vgt.f32 v9, v6  }
0xa6: {  	v8 =	vsel vm15, $0xFF800000, v8;
	v6 =	vsel vm6, v9, v6  }
0xa7: {  	vm1 =	vmand vm1, vm0;
	vm2 =	vgt.f32 v8, v6  }
0xa8: {  	v7 =	vsel vm1, $0xFF800000, v7;
	v6 =	vsel vm2, v8, v6  }
0xa9: {  	vm1 =	vgt.f32 v7, v6  }
0xaa: {  	v56 =	vnsel vm0, $0xFF800000, v5;
	v6 =	vsel vm1, v7, v6  }
0xab: {  	vm7 =	vgt.f32 v56, v6  }
0xac: {  	v5 =	vsel vm0, v13, v5;
	v6 =	vsel vm7, v56, v6  }
0xad: {  	v5 =	vsub.f32 v6, v5;
	_ =	sdelay $0x1  }
0xae: {  	v5 =	vmul.f32 $1.442695020e+00, v5;
	_ =	sdelay $0x1  }
0xaf: {  	(erf) = vpow2.f32 v5;
	_ =	sdelay $0x8  }
0xb0: {  	v5 =	vpop (erf)  }
0xb1: {  	v57 =	vadd.f32 $1.000000000e+00, v5;
	_ =	sdelay $0x1  }
0xb2: {  	v58 =	vsel vm3, $0x1, v1;
	(erf) = vrcp.f32 v57  }
0xb3: {  	v59 =	vsel vm4, $0x2, v58  }
0xb4: {  	s11 =	sadd.s32 $0x80, s11;
	v6 =	vsel vm5, $0x3, v59  }
0xb5: {  	[tilespmem:s11+$0xFFFFFFC0] =	vst v2;
	v6 =	vsel vm6, $0x4, v6  }
0xb6: {  	[tilespmem:s11+$0xFFFFFFD0] =	vst v2;
	v6 =	vsel vm2, $0x5, v6  }
0xb7: {  	[tilespmem:s11+$0xFFFFFFE0] =	vst v2;
	v6 =	vsel vm1, $0x6, v6  }
0xb8: {  	[tilespmem:s11+$0xFFFFFFF0] =	vst v2;
	v60 =	vadd.s32 v4, v14;
	v6 =	vsel vm7, $0x7, v6  }
0xb9: {  	[tilespmem:s11+$0x0] =	vst v2;
	v61 =	vadd.s32 v4, v6  }
0xba: {  	v3 =	vshll.u32 v3, $0x1;
	[tilespmem:s11+$0x10] =	vst v2  }
0xbb: {  	[tilespmem:s11+$0x20] =	vst v2;
	v62 =	vor.u32 $0x1, v3;
	v63 =	vpop (erf)  }
0xbc: {  	[tilespmem:s11+$0x30] =	vst v2;
	v5 =	vmul.f32 v63, v5  }
0xbd: {  	[tilespmem:v60+s8+$0x0] =	vst.idx.msk $0xffff, v63  }
0xbe: {  	[tilespmem:v61+s8+$0x0] =	vst.idx.msk $0xffff, v5  }
0xbf: {  	[tilespmem:v3+s9+$0x0] =	vst.idx.msk $0xffff, v14  }
0xc0: {  	[tilespmem:v62+s9+$0x0] =	vst.idx.msk $0xffff, v6  }
0xc1: {  	[hbm4b:s4+s2] =	stream.linear.scatter [tilespmem:s8], [sflag:$0x1], $0x2000, $0x38;
	[tilespmem:$0x4800] =	vst v63  }
0xc2: {  	s10 =	sadd.s32 $0x1, s10;
	_ =	swait.ge [sflag:s7], $0x2000  }
0xc3: {  	p0 =	sne.s32 s10, s6;
	[sflag:s7] =	ssyncset.done $0x0  }
.Ltmp1:
0xc4: {  	[sflag:s7] =	ssyncadd.s32 $0xFFFFE000;
	(pc) =	sbr.rel @p0 .LBB2_1-.Ltmp1, $4  }
0xc5: {  	[hbm4b:s5+s2] =	stream.linear.scatter [tilespmem:s9], [sflag:$0x1], $0x800, $0x38;
	[tilespmem:$0x4800] =	vst v63  }
0xc6: {  	_ =	swait.ge [sflag:s7], $0x800  }
0xc7: {  	[sflag:s7] =	ssyncset.done $0x0  }
0xc8: {  	[sflag:s7] =	ssyncadd.s32 $0xFFFFF800  }
0xc9: {  	_ =	sfence.sel $0x180000  }
0xca: {  	[bflag:$0x0] =	sbarrier.arrive $0xFFFF  }
0xcb: {  	p0 =	sne.s32 s1, $0x0;
	_ =	strace $0x90000047  }
0xcc: {  	s0 =	sadd.s32 @!p0 $0x100000, s0;
	[bflag:$0x2] =	sbarrier.arrive $0xFFFF  }
0xcd: {  	[sflag:s0] =	ssyncadd.tile.s32 @!p0 $0x1;
	_ =	shalt  }
.Lfunc_end2:
_tile_overlayer_lowered:
.L_overlay_start_2:
0xce: {  	(tag) =	ssettag $0x2  }
0xcf: {  	s0 =	rddreg [dreg:$0x0];
	s2 =	stileid.u32  }
0xd0: {  	s1 =	rddreg [dreg:$0x1];
	p0 =	sne.s32 s2, $0x0  }
0xd1: {  	s3 =	rddreg [dreg:$0x2];
	[bflag:$0x3] =	sbarrier.arrive $0xFFFF;
	s2 =	simm.s32 @!p0 $0x1C01  }
0xd2: {  	[timem:s3], [sflag:s2] =	dma.local @!p0 [hbm:s0], s1  }
0xd3: {  	s0 =	simm.s32 @!p0 $0x1  }
0xd4: {  	_ =	swait.ge @!p0 [sflag:s0], s1  }
0xd5: {  	s1 =	ssub.s32 @!p0 $0x0, s1;
	[sflag:s0] =	ssyncset.done @!p0 $0x0  }
0xd6: {  	[sflag:s0] =	ssyncadd.s32 @!p0 s1  }
0xd7: {  	[bflag:$0x3] =	sbarrier.arrive $0xFFFF  }
0xd8: {  	_ =	shalt  }

</sc_bundles>
